<compile_context>
chip_gen: v7x
topology: tpu7x:2x2x1
jax: 0.10.2.dev20260603
libtpu: 0.0.44.dev20260713+nightly
codegen_flags: <defaults>
</compile_context>

<pallas_src>
import functools

import jax
import jax.numpy as jnp
from jax import lax
from jax.experimental import pallas as pl
from jax.experimental.pallas import tpu as pltpu
from jax.experimental.pallas import tpu_sc as plsc

L = 16
VB = 2048


def _split_point(V):
    return ((V // 2 + VB - 1) // VB) * VB


def _build_tc_pair_transpose(V, D):
    SP = _split_point(V)
    n_blk = SP // VB

    def body(t1_ref, t2_ref, o_ref):
        a = t1_ref[...]
        b = t2_ref[...]
        c = jnp.concatenate([a, b], axis=0)
        ident = jnp.asarray(
            (lax.broadcasted_iota(jnp.int32, (2 * D, 2 * D), 0)
             == lax.broadcasted_iota(jnp.int32, (2 * D, 2 * D), 1)),
            dtype=jnp.bfloat16)
        hi = c.astype(jnp.bfloat16)
        r1 = c - hi.astype(jnp.float32)
        mid = r1.astype(jnp.bfloat16)
        lo = (r1 - mid.astype(jnp.float32)).astype(jnp.bfloat16)
        dn = (((0,), (0,)), ((), ()))

        def tdot(x):
            return lax.dot_general(x, ident, dn,
                                   preferred_element_type=jnp.float32)

        o_ref[...] = (tdot(hi) + tdot(mid)) + tdot(lo)

    return pl.pallas_call(
        body,
        grid=(n_blk,),
        in_specs=[pl.BlockSpec((D, VB), lambda i: (0, i)),
                  pl.BlockSpec((D, VB), lambda i, nb=n_blk: (0, i + nb))],
        out_specs=pl.BlockSpec((VB, 2 * D), lambda i: (i, 0)),
        out_shape=jax.ShapeDtypeStruct((SP, 2 * D), jnp.float32),
    )


def _build_sc_gather(N, V, D, NW):
    per_w = N // NW
    R = 128
    n_chunks = per_w // R
    SP = _split_point(V)
    assert per_w * NW == N and n_chunks * R == per_w and n_chunks % 2 == 0

    mesh = plsc.VectorSubcoreMesh(core_axis_name="c", subcore_axis_name="s")

    @functools.partial(
        pl.kernel,
        mesh=mesh,
        out_type=jax.ShapeDtypeStruct((N, D), jnp.float32),
        compiler_params=pltpu.CompilerParams(use_tc_tiling_on_sc=False),
        scratch_types=[
            pltpu.VMEM((per_w,), jnp.int32),
            pltpu.VMEM((per_w,), jnp.int32),
            pltpu.VMEM((R, D), jnp.float32),
            pltpu.VMEM((R, D), jnp.float32),
            pltpu.SemaphoreType.DMA,
            pltpu.SemaphoreType.DMA,
        ],
    )
    def sc_kernel(idx_hbm, table_hbm, pat_hbm, out_hbm,
                  idx_v, pat_v, buf0, buf1, sem0, sem1):
        wid = lax.axis_index("s") * 2 + lax.axis_index("c")
        base = wid * per_w

        pltpu.sync_copy(idx_hbm.at[pl.ds(base, per_w)], idx_v)
        pltpu.sync_copy(pat_hbm, pat_v)

        def add_body(i, _):
            sl = pl.ds(i * L, L)
            vv = idx_v[sl] + pat_v[sl]
            fold = jnp.where(vv >= SP, 1, 0)
            idx_v[sl] = 2 * vv - fold * (2 * SP - 1)
            return 0

        lax.fori_loop(0, per_w // L, add_body, 0)

        def gather(c, buf, sem):
            pltpu.async_copy(table_hbm.at[idx_v.at[pl.ds(c * R, R)]], buf, sem)

        def gwait(buf, sem):
            pltpu.make_async_copy(table_hbm.at[pl.ds(0, R)], buf, sem).wait()

        gather(0, buf0, sem0)

        def chunk_body(j, _):
            c0 = 2 * j
            gather(c0 + 1, buf1, sem1)
            gwait(buf0, sem0)
            pltpu.sync_copy(buf0, out_hbm.at[pl.ds(base + c0 * R, R)])

            @pl.when(j + 1 < n_chunks // 2)
            def _():
                gather(c0 + 2, buf0, sem0)

            gwait(buf1, sem1)
            pltpu.sync_copy(buf1, out_hbm.at[pl.ds(base + (c0 + 1) * R, R)])
            return 0

        lax.fori_loop(0, n_chunks // 2, chunk_body, 0)

    return sc_kernel


def kernel(categorical_inputs, table, offsets):
    B, F = categorical_inputs.shape
    V, D = table.shape
    N = B * F
    NW = 32
    SP = _split_point(V)

    tableT = jnp.transpose(table)
    ptable = _build_tc_pair_transpose(V, D)(tableT, tableT)
    table2 = ptable.reshape(2 * SP, D)

    idx = categorical_inputs.astype(jnp.int32).reshape(N)
    per_w = N // NW
    pat = jnp.tile(offsets[:F].astype(jnp.int32), per_w // F)

    sc = _build_sc_gather(N, V, D, NW)
    out = sc(idx, table2, pat)
    return out.reshape(B, F, D)

# --- scband reference (transcript-rebuilt; emitter-appended) ---
"""Pipeline reference for scband-joint-sparse-embedding-57260503990937 (READ-ONLY COPY).

The authoritative reference and input builder live on the scoring server;
editing this copy changes nothing except your own understanding.
"""

import jax, jax.numpy as jnp
import numpy as np

B = 16384
F = 26
D = 64
VOCAB = 100000


def setup_inputs(seed: int = 0) -> dict:
    key = jax.random.key(seed)
    k1, k2 = jax.random.split(key)
    sizes = np.full(F, VOCAB, dtype=np.int64)
    offsets = np.concatenate([np.zeros(1, dtype=np.int64), np.cumsum(sizes)]).astype(np.int64)
    categorical_inputs = jax.random.randint(k1, (B, F), 0, VOCAB, dtype=jnp.int64)
    # joint (concatenated) embedding table for all 26 categorical features
    table = jax.random.normal(k2, (int(offsets[-1]), D), dtype=jnp.float32) * 0.01
    return {
        "categorical_inputs": categorical_inputs,
        "table": table,
        "offsets": jnp.asarray(offsets, dtype=jnp.int64),
    }


def reference(categorical_inputs, table, offsets):
    # JointSparseEmbedding: per-column indices are shifted by the table offset
    # of each categorical feature, then a single fused gather is performed.
    flat_idx = categorical_inputs + offsets[:-1][None, :]  # [B, F]
    gathered = jnp.take(table, flat_idx.reshape(-1), axis=0)  # [B*F, D]
    out = gathered.reshape(categorical_inputs.shape[0], categorical_inputs.shape[1], -1)
    # original forward returns [embedding(categorical_inputs)] -> single joint tensor
    return out

if __name__ == "__main__":
    import jax
    _d = setup_inputs()
    print(jax.jit(kernel)(*tuple(_d.values())))

</pallas_src>

<mosaic_0001>
#map = affine_map<(d0, d1) -> (0)>
#map1 = affine_map<(d0, d1) -> (0, 0)>
module attributes {stable_mosaic.version = 14 : i64} {
  func.func @sc_kernel(%arg0: i32, %arg1: i32, %arg2: memref<425984xi32, #tpu.memory_space<hbm>>, %arg3: memref<2600960x64xf32, #tpu.memory_space<hbm>>, %arg4: memref<13312xi32, #tpu.memory_space<hbm>>, %arg5: memref<425984x64xf32, #tpu.memory_space<hbm>>, %arg6: memref<13312xi32, #tpu.memory_space<vmem>>, %arg7: memref<13312xi32, #tpu.memory_space<vmem>>, %arg8: memref<128x64xf32, #tpu.memory_space<vmem>>, %arg9: memref<128x64xf32, #tpu.memory_space<vmem>>, %arg10: memref<!tpu.dma_semaphore, #tpu.memory_space<semaphore_mem>>, %arg11: memref<!tpu.dma_semaphore, #tpu.memory_space<semaphore_mem>>) attributes {dimension_semantics = [#tpu.dimension_semantics<core_parallel>, #tpu.dimension_semantics<subcore_parallel>], iteration_bounds = array<i64: 2, 16>, scalar_prefetch = 0 : i64, scratch_operands = 6 : i64, tpu.core_type = #tpu.core_type<sc_vector_subcore>, window_params = [{transform_indices = #map}, {transform_indices = #map1}, {transform_indices = #map}, {transform_indices = #map1}]} {
    %mul3A = arith.constant 2 : i32
    %mul3A_0 = arith.muli %arg1, %mul3A : i32
    %add3A = arith.addi %mul3A_0, %arg0 : i32
    %mul3A_1 = arith.constant 13312 : i32
    %mul3A_2 = arith.muli %add3A, %mul3A_1 : i32
    "tpu.region"() ({
      %run_scoped3A = tpu.sem_alloc : memref<!tpu.dma_semaphore, #tpu.memory_space<semaphore_mem>>
      %dma_start3A_20 = tpu.memref_slice %arg2[%mul3A_2] : memref<425984xi32, #tpu.memory_space<hbm>> -> memref<13312xi32, #tpu.memory_space<hbm>>
      %dma_start3A_21 = tpu.memref_slice %arg2[%mul3A_2] : memref<425984xi32, #tpu.memory_space<hbm>> -> memref<13312xi32, #tpu.memory_space<hbm>>
      tpu.enqueue_dma source(%dma_start3A_21 : memref<13312xi32, #tpu.memory_space<hbm>>) target(%arg6 : memref<13312xi32, #tpu.memory_space<vmem>>) target_semaphore(%run_scoped3A : memref<!tpu.dma_semaphore, #tpu.memory_space<semaphore_mem>>)
      %dma_wait3A = tpu.memref_slice %arg2[%mul3A_2] : memref<425984xi32, #tpu.memory_space<hbm>> -> memref<13312xi32, #tpu.memory_space<hbm>>
      %dma_wait3A_22 = tpu.memref_slice %arg2[%mul3A_2] : memref<425984xi32, #tpu.memory_space<hbm>> -> memref<13312xi32, #tpu.memory_space<hbm>>
      tpu.wait_dma2 semaphore(%run_scoped3A : memref<!tpu.dma_semaphore, #tpu.memory_space<semaphore_mem>>) src(%dma_wait3A_22 : memref<13312xi32, #tpu.memory_space<hbm>>) dst(%arg6 : memref<13312xi32, #tpu.memory_space<vmem>>)
      tpu.yield
    }) : () -> ()
    "tpu.region"() ({
      %run_scoped3A = tpu.sem_alloc : memref<!tpu.dma_semaphore, #tpu.memory_space<semaphore_mem>>
      tpu.enqueue_dma source(%arg4 : memref<13312xi32, #tpu.memory_space<hbm>>) target(%arg7 : memref<13312xi32, #tpu.memory_space<vmem>>) target_semaphore(%run_scoped3A : memref<!tpu.dma_semaphore, #tpu.memory_space<semaphore_mem>>)
      tpu.wait_dma2 semaphore(%run_scoped3A : memref<!tpu.dma_semaphore, #tpu.memory_space<semaphore_mem>>) src(%arg4 : memref<13312xi32, #tpu.memory_space<hbm>>) dst(%arg7 : memref<13312xi32, #tpu.memory_space<vmem>>)
      tpu.yield
    }) : () -> ()
    %scan3A = arith.constant 0 : i32
    %scan3A_3 = arith.constant 0 : i32
    %scan3A_4 = arith.constant 832 : i32
    %scan3A_5 = arith.addi %scan3A_3, %scan3A_4 : i32
    %scan3A_6 = arith.constant 1 : i32
    %scan3A_7 = scf.for %scan3A_20 = %scan3A_3 to %scan3A_5 step %scan3A_6 iter_args(%scan3A_21 = %scan3A) -> (i32)  : i32 {
      %mul3A_22 = arith.constant 16 : i32
      %mul3A_23 = arith.muli %scan3A_20, %mul3A_22 : i32
      %get3A = arith.index_cast %mul3A_23 : i32 to index
      %get3A_24 = tpu.vector_load %arg6[%get3A] {strides = array<i32>} : memref<13312xi32, #tpu.memory_space<vmem>>, vector<16xi32>,
      %get3A_25 = vector.shape_cast %get3A_24 : vector<16xi32> to vector<16xi32>
      %get3A_26 = arith.index_cast %mul3A_23 : i32 to index
      %get3A_27 = tpu.vector_load %arg7[%get3A_26] {strides = array<i32>} : memref<13312xi32, #tpu.memory_space<vmem>>, vector<16xi32>,
      %get3A_28 = vector.shape_cast %get3A_27 : vector<16xi32> to vector<16xi32>
      %add3A_29 = arith.addi %get3A_25, %get3A_28 : vector<16xi32>
      %ge3A = arith.constant 1300480 : i32
      %ge3A_30 = vector.broadcast %ge3A : i32 to vector<16xi32>
      %ge3A_31 = arith.cmpi sge, %add3A_29, %ge3A_30 : vector<16xi32>
      %jit3A = arith.constant 1 : i32
      %jit3A_32 = arith.constant 0 : i32
      %broadcast_in_dim3A = vector.broadcast %jit3A : i32 to vector<16xi32>
      %broadcast_in_dim3A_33 = vector.broadcast %jit3A_32 : i32 to vector<16xi32>
      %select_n3A = arith.select %ge3A_31, %broadcast_in_dim3A, %broadcast_in_dim3A_33 : vector<16xi1>, vector<16xi32>
      %mul3A_34 = arith.constant 2 : i32
      %mul3A_35 = vector.broadcast %mul3A_34 : i32 to vector<16xi32>
      %mul3A_36 = arith.muli %mul3A_35, %add3A_29 : vector<16xi32>
      %mul3A_37 = arith.constant 2600959 : i32
      %mul3A_38 = vector.broadcast %mul3A_37 : i32 to vector<16xi32>
      %mul3A_39 = arith.muli %select_n3A, %mul3A_38 : vector<16xi32>
      %sub3A = arith.subi %mul3A_36, %mul3A_39 : vector<16xi32>
      %swap3A = arith.index_cast %mul3A_23 : i32 to index
      %swap3A_40 = tpu.vector_load %arg6[%swap3A] {strides = array<i32>} : memref<13312xi32, #tpu.memory_space<vmem>>, vector<16xi32>,
      %swap3A_41 = vector.shape_cast %swap3A_40 : vector<16xi32> to vector<16xi32>
      %swap3A_42 = vector.shape_cast %sub3A : vector<16xi32> to vector<16xi32>
      tpu.vector_store %arg6[%swap3A], %swap3A_42 {strides = array<i32>} : memref<13312xi32, #tpu.memory_space<vmem>>, vector<16xi32>,
      %scan3A_43 = arith.constant 0 : i32
      scf.yield %scan3A_43 : i32
    }
    %scan3A_8 = arith.constant 832 : i32
    %dma_start3A = arith.constant 0 : i32
    %dma_start3A_9 = tpu.memref_slice %arg6[%dma_start3A] : memref<13312xi32, #tpu.memory_space<vmem>> -> memref<128xi32, #tpu.memory_space<vmem>>
    %dma_start3A_10 = arith.constant 0 : i32
    %dma_start3A_11 = arith.constant 0 : i32
    %dma_start3A_12 = tpu.memref_slice %arg3[%dma_start3A_10, %dma_start3A_11] : memref<2600960x64xf32, #tpu.memory_space<hbm>> -> memref<2600960x64xf32, #tpu.memory_space<hbm>>
    tpu.enqueue_indirect_dma source(%dma_start3A_12 : memref<2600960x64xf32, #tpu.memory_space<hbm>>) target(%arg8 : memref<128x64xf32, #tpu.memory_space<vmem>>) offsets(%dma_start3A_9 : memref<128xi32, #tpu.memory_space<vmem>>) semaphore(%arg10 : memref<!tpu.dma_semaphore, #tpu.memory_space<semaphore_mem>>)
    %scan3A_13 = arith.constant 0 : i32
    %scan3A_14 = arith.constant 0 : i32
    %scan3A_15 = arith.constant 52 : i32
    %scan3A_16 = arith.addi %scan3A_14, %scan3A_15 : i32
    %scan3A_17 = arith.constant 1 : i32
    %scan3A_18 = scf.for %scan3A_20 = %scan3A_14 to %scan3A_16 step %scan3A_17 iter_args(%scan3A_21 = %scan3A_13) -> (i32)  : i32 {
      %mul3A_22 = arith.constant 2 : i32
      %mul3A_23 = arith.muli %mul3A_22, %scan3A_20 : i32
      %add3A_24 = arith.constant 1 : i32
      %add3A_25 = arith.addi %mul3A_23, %add3A_24 : i32
      %mul3A_26 = arith.constant 128 : i32
      %mul3A_27 = arith.muli %add3A_25, %mul3A_26 : i32
      %dma_start3A_28 = tpu.memref_slice %arg6[%mul3A_27] : memref<13312xi32, #tpu.memory_space<vmem>> -> memref<128xi32, #tpu.memory_space<vmem>>
      %dma_start3A_29 = arith.constant 0 : i32
      %dma_start3A_30 = arith.constant 0 : i32
      %dma_start3A_31 = tpu.memref_slice %arg3[%dma_start3A_29, %dma_start3A_30] : memref<2600960x64xf32, #tpu.memory_space<hbm>> -> memref<2600960x64xf32, #tpu.memory_space<hbm>>
      tpu.enqueue_indirect_dma source(%dma_start3A_31 : memref<2600960x64xf32, #tpu.memory_space<hbm>>) target(%arg9 : memref<128x64xf32, #tpu.memory_space<vmem>>) offsets(%dma_start3A_28 : memref<128xi32, #tpu.memory_space<vmem>>) semaphore(%arg11 : memref<!tpu.dma_semaphore, #tpu.memory_space<semaphore_mem>>)
      %dma_wait3A = arith.constant 0 : i32
      %dma_wait3A_32 = arith.constant 0 : i32
      %dma_wait3A_33 = tpu.memref_slice %arg3[%dma_wait3A, %dma_wait3A_32] : memref<2600960x64xf32, #tpu.memory_space<hbm>> -> memref<128x64xf32, #tpu.memory_space<hbm>>
      %dma_wait3A_34 = arith.constant 0 : i32
      %dma_wait3A_35 = arith.constant 0 : i32
      %dma_wait3A_36 = tpu.memref_slice %arg3[%dma_wait3A_34, %dma_wait3A_35] : memref<2600960x64xf32, #tpu.memory_space<hbm>> -> memref<128x64xf32, #tpu.memory_space<hbm>>
      tpu.wait_dma2 semaphore(%arg10 : memref<!tpu.dma_semaphore, #tpu.memory_space<semaphore_mem>>) src(%dma_wait3A_36 : memref<128x64xf32, #tpu.memory_space<hbm>>) dst(%arg8 : memref<128x64xf32, #tpu.memory_space<vmem>>)
      %mul3A_37 = arith.constant 128 : i32
      %mul3A_38 = arith.muli %mul3A_23, %mul3A_37 : i32
      %add3A_39 = arith.addi %mul3A_2, %mul3A_38 : i32
      "tpu.region"() ({
        %run_scoped3A = tpu.sem_alloc : memref<!tpu.dma_semaphore, #tpu.memory_space<semaphore_mem>>
        %dma_start3A_56 = arith.constant 0 : i32
        %dma_start3A_57 = tpu.memref_slice %arg5[%add3A_39, %dma_start3A_56] : memref<425984x64xf32, #tpu.memory_space<hbm>> -> memref<128x64xf32, #tpu.memory_space<hbm>>
        %dma_start3A_58 = arith.constant 0 : i32
        %dma_start3A_59 = tpu.memref_slice %arg5[%add3A_39, %dma_start3A_58] : memref<425984x64xf32, #tpu.memory_space<hbm>> -> memref<128x64xf32, #tpu.memory_space<hbm>>
        tpu.enqueue_dma source(%arg8 : memref<128x64xf32, #tpu.memory_space<vmem>>) target(%dma_start3A_59 : memref<128x64xf32, #tpu.memory_space<hbm>>) target_semaphore(%run_scoped3A : memref<!tpu.dma_semaphore, #tpu.memory_space<semaphore_mem>>)
        %dma_wait3A_60 = arith.constant 0 : i32
        %dma_wait3A_61 = tpu.memref_slice %arg5[%add3A_39, %dma_wait3A_60] : memref<425984x64xf32, #tpu.memory_space<hbm>> -> memref<128x64xf32, #tpu.memory_space<hbm>>
        %dma_wait3A_62 = arith.constant 0 : i32
        %dma_wait3A_63 = tpu.memref_slice %arg5[%add3A_39, %dma_wait3A_62] : memref<425984x64xf32, #tpu.memory_space<hbm>> -> memref<128x64xf32, #tpu.memory_space<hbm>>
        tpu.wait_dma2 semaphore(%run_scoped3A : memref<!tpu.dma_semaphore, #tpu.memory_space<semaphore_mem>>) src(%arg8 : memref<128x64xf32, #tpu.memory_space<vmem>>) dst(%dma_wait3A_63 : memref<128x64xf32, #tpu.memory_space<hbm>>)
        tpu.yield
      }) : () -> ()
      %add3A_40 = arith.constant 1 : i32
      %add3A_41 = arith.addi %scan3A_20, %add3A_40 : i32
      %lt3A = arith.constant 52 : i32
      %lt3A_42 = arith.cmpi slt, %add3A_41, %lt3A : i32
      %convert_element_type3A = arith.extui %lt3A_42 : i1 to i32
      %cond3A = arith.constant 0 : i32
      %cond3A_43 = arith.cmpi ne, %convert_element_type3A, %cond3A : i32
      scf.if %cond3A_43 {
        %add3A_56 = arith.constant 2 : i32
        %add3A_57 = arith.addi %mul3A_23, %add3A_56 : i32
        %mul3A_58 = arith.constant 128 : i32
        %mul3A_59 = arith.muli %add3A_57, %mul3A_58 : i32
        %dma_start3A_60 = tpu.memref_slice %arg6[%mul3A_59] : memref<13312xi32, #tpu.memory_space<vmem>> -> memref<128xi32, #tpu.memory_space<vmem>>
        %dma_start3A_61 = arith.constant 0 : i32
        %dma_start3A_62 = arith.constant 0 : i32
        %dma_start3A_63 = tpu.memref_slice %arg3[%dma_start3A_61, %dma_start3A_62] : memref<2600960x64xf32, #tpu.memory_space<hbm>> -> memref<2600960x64xf32, #tpu.memory_space<hbm>>
        tpu.enqueue_indirect_dma source(%dma_start3A_63 : memref<2600960x64xf32, #tpu.memory_space<hbm>>) target(%arg8 : memref<128x64xf32, #tpu.memory_space<vmem>>) offsets(%dma_start3A_60 : memref<128xi32, #tpu.memory_space<vmem>>) semaphore(%arg10 : memref<!tpu.dma_semaphore, #tpu.memory_space<semaphore_mem>>)
      } else {
      }
      %dma_wait3A_44 = arith.constant 0 : i32
      %dma_wait3A_45 = arith.constant 0 : i32
      %dma_wait3A_46 = tpu.memref_slice %arg3[%dma_wait3A_44, %dma_wait3A_45] : memref<2600960x64xf32, #tpu.memory_space<hbm>> -> memref<128x64xf32, #tpu.memory_space<hbm>>
      %dma_wait3A_47 = arith.constant 0 : i32
      %dma_wait3A_48 = arith.constant 0 : i32
      %dma_wait3A_49 = tpu.memref_slice %arg3[%dma_wait3A_47, %dma_wait3A_48] : memref<2600960x64xf32, #tpu.memory_space<hbm>> -> memref<128x64xf32, #tpu.memory_space<hbm>>
      tpu.wait_dma2 semaphore(%arg11 : memref<!tpu.dma_semaphore, #tpu.memory_space<semaphore_mem>>) src(%dma_wait3A_49 : memref<128x64xf32, #tpu.memory_space<hbm>>) dst(%arg9 : memref<128x64xf32, #tpu.memory_space<vmem>>)
      %add3A_50 = arith.constant 1 : i32
      %add3A_51 = arith.addi %mul3A_23, %add3A_50 : i32
      %mul3A_52 = arith.constant 128 : i32
      %mul3A_53 = arith.muli %add3A_51, %mul3A_52 : i32
      %add3A_54 = arith.addi %mul3A_2, %mul3A_53 : i32
      "tpu.region"() ({
        %run_scoped3A = tpu.sem_alloc : memref<!tpu.dma_semaphore, #tpu.memory_space<semaphore_mem>>
        %dma_start3A_56 = arith.constant 0 : i32
        %dma_start3A_57 = tpu.memref_slice %arg5[%add3A_54, %dma_start3A_56] : memref<425984x64xf32, #tpu.memory_space<hbm>> -> memref<128x64xf32, #tpu.memory_space<hbm>>
        %dma_start3A_58 = arith.constant 0 : i32
        %dma_start3A_59 = tpu.memref_slice %arg5[%add3A_54, %dma_start3A_58] : memref<425984x64xf32, #tpu.memory_space<hbm>> -> memref<128x64xf32, #tpu.memory_space<hbm>>
        tpu.enqueue_dma source(%arg9 : memref<128x64xf32, #tpu.memory_space<vmem>>) target(%dma_start3A_59 : memref<128x64xf32, #tpu.memory_space<hbm>>) target_semaphore(%run_scoped3A : memref<!tpu.dma_semaphore, #tpu.memory_space<semaphore_mem>>)
        %dma_wait3A_60 = arith.constant 0 : i32
        %dma_wait3A_61 = tpu.memref_slice %arg5[%add3A_54, %dma_wait3A_60] : memref<425984x64xf32, #tpu.memory_space<hbm>> -> memref<128x64xf32, #tpu.memory_space<hbm>>
        %dma_wait3A_62 = arith.constant 0 : i32
        %dma_wait3A_63 = tpu.memref_slice %arg5[%add3A_54, %dma_wait3A_62] : memref<425984x64xf32, #tpu.memory_space<hbm>> -> memref<128x64xf32, #tpu.memory_space<hbm>>
        tpu.wait_dma2 semaphore(%run_scoped3A : memref<!tpu.dma_semaphore, #tpu.memory_space<semaphore_mem>>) src(%arg9 : memref<128x64xf32, #tpu.memory_space<vmem>>) dst(%dma_wait3A_63 : memref<128x64xf32, #tpu.memory_space<hbm>>)
        tpu.yield
      }) : () -> ()
      %scan3A_55 = arith.constant 0 : i32
      scf.yield %scan3A_55 : i32
    }
    %scan3A_19 = arith.constant 52 : i32
    return
  }
}

module attributes {stable_mosaic.version = 14 : i64} {
  func.func @body(%arg0: i32, %arg1: memref<64x2048xf32, #tpu.memory_space<vmem>>, %arg2: memref<64x2048xf32, #tpu.memory_space<vmem>>, %arg3: memref<2048x128xf32, #tpu.memory_space<vmem>>) attributes {dimension_semantics = [#tpu.dimension_semantics<arbitrary>], iteration_bounds = array<i64: 635>, scalar_prefetch = 0 : i64, scratch_operands = 0 : i64, tpu.core_type = #tpu.core_type<tc>, window_params = [{transform_indices = @transform_0, window_bounds = array<i64: 64, 2048>}, {transform_indices = @transform_1, window_bounds = array<i64: 64, 2048>}, {transform_indices = @transform_2, window_bounds = array<i64: 2048, 128>}]} {
    %get3A = arith.constant 0 : index
    %get3A_0 = arith.constant 0 : index
    %get3A_1 = vector.load %arg1[%get3A, %get3A_0] : memref<64x2048xf32, #tpu.memory_space<vmem>>, vector<64x2048xf32>
    %get3A_2 = arith.constant 0 : index
    %get3A_3 = arith.constant 0 : index
    %get3A_4 = vector.load %arg2[%get3A_2, %get3A_3] : memref<64x2048xf32, #tpu.memory_space<vmem>>, vector<64x2048xf32>
    %concatenate3A = tpu.concatenate %get3A_1, %get3A_4 in 0 : vector<64x2048xf32>, vector<64x2048xf32> -> vector<128x2048xf32>
    %iota3A = tpu.iota {dimensions = array<i32: 0>} : vector<128x128xi32>
    %iota3A_5 = tpu.iota {dimensions = array<i32: 1>} : vector<128x128xi32>
    %eq3A = arith.cmpi eq, %iota3A, %iota3A_5 : vector<128x128xi32>
    %convert_element_type3A = arith.extui %eq3A : vector<128x128xi1> to vector<128x128xi32>
    %convert_element_type3A_6 = arith.sitofp %convert_element_type3A : vector<128x128xi32> to vector<128x128xf32>
    %convert_element_type3A_7 = arith.truncf %convert_element_type3A_6 : vector<128x128xf32> to vector<128x128xbf16>
    %convert_element_type3A_8 = arith.truncf %concatenate3A : vector<128x2048xf32> to vector<128x2048xbf16>
    %convert_element_type3A_9 = arith.extf %convert_element_type3A_8 : vector<128x2048xbf16> to vector<128x2048xf32>
    %sub3A = arith.subf %concatenate3A, %convert_element_type3A_9 : vector<128x2048xf32>
    %convert_element_type3A_10 = arith.truncf %sub3A : vector<128x2048xf32> to vector<128x2048xbf16>
    %convert_element_type3A_11 = arith.extf %convert_element_type3A_10 : vector<128x2048xbf16> to vector<128x2048xf32>
    %sub3A_12 = arith.subf %sub3A, %convert_element_type3A_11 : vector<128x2048xf32>
    %convert_element_type3A_13 = arith.truncf %sub3A_12 : vector<128x2048xf32> to vector<128x2048xbf16>
    %dot_general3A = arith.constant dense<0.000000e+00> : vector<2048x128xf32>
    %dot_general3A_14 = tpu.matmul %convert_element_type3A_8, %convert_element_type3A_7, %dot_general3A {dimension_numbers = #tpu.dot_dimension_numbers<[0], [0], [1], [1], [0, 1, 1, 1], [], []>, transpose_lhs_hint = false} : vector<128x2048xbf16>, vector<128x128xbf16>, vector<2048x128xf32> -> vector<2048x128xf32>
    %dot_general3A_15 = arith.constant dense<0.000000e+00> : vector<2048x128xf32>
    %dot_general3A_16 = tpu.matmul %convert_element_type3A_10, %convert_element_type3A_7, %dot_general3A_15 {dimension_numbers = #tpu.dot_dimension_numbers<[0], [0], [1], [1], [0, 1, 1, 1], [], []>, transpose_lhs_hint = false} : vector<128x2048xbf16>, vector<128x128xbf16>, vector<2048x128xf32> -> vector<2048x128xf32>
    %add3A = arith.addf %dot_general3A_14, %dot_general3A_16 : vector<2048x128xf32>
    %dot_general3A_17 = arith.constant dense<0.000000e+00> : vector<2048x128xf32>
    %dot_general3A_18 = tpu.matmul %convert_element_type3A_13, %convert_element_type3A_7, %dot_general3A_17 {dimension_numbers = #tpu.dot_dimension_numbers<[0], [0], [1], [1], [0, 1, 1, 1], [], []>, transpose_lhs_hint = false} : vector<128x2048xbf16>, vector<128x128xbf16>, vector<2048x128xf32> -> vector<2048x128xf32>
    %add3A_19 = arith.addf %add3A, %dot_general3A_18 : vector<2048x128xf32>
    %swap3A = arith.constant 0 : index
    %swap3A_20 = arith.constant 0 : index
    %swap3A_21 = vector.load %arg3[%swap3A, %swap3A_20] : memref<2048x128xf32, #tpu.memory_space<vmem>>, vector<2048x128xf32>
    tpu.vector_store %arg3[%swap3A, %swap3A_20], %add3A_19 {strides = array<i32>} : memref<2048x128xf32, #tpu.memory_space<vmem>>, vector<2048x128xf32>,
    return
  }
  func.func @transform_0(%arg0: i32) -> (i32, i32) {
    %c0_i32 = arith.constant 0 : i32
    %c0_i32_0 = arith.constant 0 : i32
    return %c0_i32, %arg0 : i32, i32
  }
  func.func @transform_1(%arg0: i32) -> (i32, i32) {
    %add3A = arith.constant 635 : i32
    %add3A_0 = arith.addi %arg0, %add3A : i32
    %c0_i32 = arith.constant 0 : i32
    %c0_i32_1 = arith.constant 0 : i32
    return %c0_i32, %add3A_0 : i32, i32
  }
  func.func @transform_2(%arg0: i32) -> (i32, i32) {
    %c0_i32 = arith.constant 0 : i32
    %c0_i32_0 = arith.constant 0 : i32
    return %arg0, %c0_i32 : i32, i32
  }
}

</mosaic_0001>

<sc_bundles>
// kernel: kernel.4.cloned.1.call-start
scs
__scs_entry_jumppad:
0x0: {  	(pc) =	sbr.rel $0x88, $3  }
0x1: {  	(tag) =	ssettag $0x0;
	lr =	simm.s32 $0x1  }
0x2: {  	[smem:$0x3F9E] =	sst lr;
	_ =	strace $0xD0000000  }
0x3: {  	_ = 	snop  }
0x4: {  	_ = 	snop  }
0x5: {  	_ = 	snop  }
0x6: {  	_ = 	snop  }
0x7: {  	_ = 	snop  }
__scs_overlays_trampoline_lowered:
0x8: {  	[smem:$0x3FAD] =	sst s0  }
0x9: {  	[smem:$0x3FAE] =	sst s1  }
0xa: {  	[smem:$0x3FAF] =	sst s2  }
0xb: {  	[smem:$0x3FB0] =	sst s3  }
0xc: {  	[smem:$0x3FB1] =	sst s4  }
0xd: {  	[smem:$0x3FB2] =	sst s5  }
0xe: {  	[smem:$0x3FB3] =	sst s6  }
0xf: {  	[smem:$0x3FB4] =	sst s7  }
0x10: {  	[smem:$0x3FB5] =	sst s8  }
0x11: {  	[smem:$0x3FB6] =	sst s9;
	s0 =	simm.s32 @!p0 $0x0  }
0x12: {  	s1 =	sld [smem:$0x3F9C];
	s0 =	simm.s32 @p0 $0x1  }
0x13: {  	[smem:$0x3FB7] =	sst s0;
	s0 =	simm.s32 @!p1 $0x0  }
0x14: {  	s2 =	sld [smem:$0x3F9B];
	s0 =	simm.s32 @p1 $0x1  }
0x15: {  	[smem:$0x3FB8] =	sst s0;
	s0 =	simm.s32 @!p2 $0x0  }
0x16: {  	s3 =	sld [smem:$0x3FDB];
	s0 =	simm.s32 @p2 $0x1  }
0x17: {  	s4 =	simm.s32 $0x1BF5;
	[smem:$0x3FBA] =	sst s0  }
0x18: {  	s0 =	sld [smem:$0x3F9D];
	_ =	swait.ge [sflag:s4], $0x0  }
0x19: {  	s7 =	sld [smem:$0x3F9E]  }
0x1a: {  	s8 =	sadd.s32 $0xFFFFE003, lr  }
0x1b: {  	s9 =	sadd.s32 $0xFFFFFEF7, lr;
	s5 =	simm.s32 $0xFFFFFFFF;
	p2 =	slt.u32 s8, $0xFFFFF086  }
0x1c: {  	p1 =	slt.u32 s9, $0xF7A;
	s5 =	simm.s32 @!p2 $0x0  }
0x1d: {  	s5 =	simm.s32 @p1 $0x1;
	p0 =	seq.s32 s7, s2  }
0x1e: {  	s7 =	smul.u32 @!p0 $0xF7A, s2;
	p2 =	seq.s32 @!p0 s5, $0x0  }
0x1f: {  	s9 =	smul.u32 $0xF7A, s1;
	s8 =	simm.s32 @!p0 $0x1BF5;
	p2 =	por !p2, p0  }
0x20: {  	[sflag:s8] =	ssyncset.s32 @!p0 $0xFFFFF086;
	s6 =	sadd.s32 @!p0 s3, s7;
	s7 =	simm.s32 @!p0 $0x108  }
0x21: {  	s3 =	sadd.s32 s3, s9;
	s6 =	sadd.s32 @!p0 $0x88, s6;
	s7 =	simm.s32 @p2 $0x1082  }
0x22: {  	[simem:s7], [sflag:s8] =	dma.local @!p0 [hbm:s6], $0xF7A  }
0x23: {  	s9 =	sor.u32 $0xD0000000, s2;
	s6 =	simm.s32 $0x108;
	_ =	swait.ge @!p0 [sflag:s8], $0x0  }
0x24: {  	s3 =	sadd.s32 $0x88, s3;
	s6 =	simm.s32 @!p1 $0x1082;
	[sflag:s4] =	ssyncset.s32 $0xFFFFF086  }
0x25: {  	[simem:s6], [sflag:s4] =	dma.local [hbm:s3], $0xF7A  }
0x26: {  	[smem:$0x3F9E] =	sst s1;
	(tag) =	ssettag s2;
	_ =	strace s9  }
0x27: {  	s1 =	sld [smem:$0x3FAE]  }
0x28: {  	s2 =	sld [smem:$0x3FAF]  }
0x29: {  	s4 =	sld [smem:$0x3FB1]  }
0x2a: {  	p0 =	seq.s32 s5, $0x0;
	s5 =	sld [smem:$0x3FB2]  }
0x2b: {  	s6 =	sld [smem:$0x3FB3]  }
0x2c: {  	s7 =	sld [smem:$0x3FB4]  }
0x2d: {  	s3 =	simm.s32 $0x108;
	s8 =	sld [smem:$0x3FB5]  }
0x2e: {  	s3 =	simm.s32 @!p0 $0x1082;
	s9 =	sld [smem:$0x3FB6]  }
0x2f: {  	lr =	sadd.s32 s0, s3;
	s0 =	sld [smem:$0x3FAD]  }
0x30: {  	s3 =	sld [smem:$0x3FB0]  }
0x31: {  	[smem:$0x3FB9] =	sst s10  }
0x32: {  	s10 =	sld [smem:$0x3FB7];
	_ =	sdelay $0x3  }
0x33: {  	p0 =	seq.s32 s10, $0x1;
	s10 =	sld [smem:$0x3FB9];
	_ =	sdelay $0x3  }
0x34: {  	[smem:$0x3FB9] =	sst s10  }
0x35: {  	s10 =	sld [smem:$0x3FB8];
	_ =	sdelay $0x3  }
0x36: {  	p1 =	seq.s32 s10, $0x1;
	s10 =	sld [smem:$0x3FB9];
	_ =	sdelay $0x3  }
0x37: {  	[smem:$0x3FB9] =	sst s10  }
0x38: {  	s10 =	sld [smem:$0x3FBA]  }
0x39: {  	_ = 	snop;
	(pc) =	sbr.ind lr, $3  }
0x3a: {  	_ = 	snop  }
0x3b: {  	_ = 	snop  }
0x3c: {  	p2 =	seq.s32 s10, $0x1;
	s10 =	sld [smem:$0x3FB9]  }
0x3d: {  	_ =	shalt  }
0x3e: {  	_ =	shalt  }
0x3f: {  	_ =	shalt  }
0x40: {  	_ =	shalt  }
0x41: {  	_ =	shalt  }
0x42: {  	_ =	shalt  }
0x43: {  	_ =	shalt  }
0x44: {  	_ =	shalt  }
0x45: {  	_ =	shalt  }
0x46: {  	_ =	shalt  }
0x47: {  	_ =	shalt  }
0x48: {  	_ =	shalt  }
0x49: {  	_ =	shalt  }
0x4a: {  	_ =	shalt  }
0x4b: {  	_ =	shalt  }
0x4c: {  	_ =	shalt  }
0x4d: {  	_ =	shalt  }
0x4e: {  	_ =	shalt  }
0x4f: {  	_ =	shalt  }
0x50: {  	_ =	shalt  }
0x51: {  	_ =	shalt  }
0x52: {  	_ =	shalt  }
0x53: {  	_ =	shalt  }
0x54: {  	_ =	shalt  }
0x55: {  	_ =	shalt  }
0x56: {  	_ =	shalt  }
0x57: {  	_ =	shalt  }
0x58: {  	_ =	shalt  }
0x59: {  	_ =	shalt  }
0x5a: {  	_ =	shalt  }
0x5b: {  	_ =	shalt  }
0x5c: {  	_ =	shalt  }
0x5d: {  	_ =	shalt  }
0x5e: {  	_ =	shalt  }
0x5f: {  	_ =	shalt  }
0x60: {  	_ =	shalt  }
0x61: {  	_ =	shalt  }
0x62: {  	_ =	shalt  }
0x63: {  	_ =	shalt  }
0x64: {  	_ =	shalt  }
0x65: {  	_ =	shalt  }
0x66: {  	_ =	shalt  }
0x67: {  	_ =	shalt  }
0x68: {  	_ =	shalt  }
0x69: {  	_ =	shalt  }
0x6a: {  	_ =	shalt  }
0x6b: {  	_ =	shalt  }
0x6c: {  	_ =	shalt  }
0x6d: {  	_ =	shalt  }
0x6e: {  	_ =	shalt  }
0x6f: {  	_ =	shalt  }
0x70: {  	_ =	shalt  }
0x71: {  	_ =	shalt  }
0x72: {  	_ =	shalt  }
0x73: {  	_ =	shalt  }
0x74: {  	_ =	shalt  }
0x75: {  	_ =	shalt  }
0x76: {  	_ =	shalt  }
0x77: {  	_ =	shalt  }
0x78: {  	_ =	shalt  }
0x79: {  	_ =	shalt  }
0x7a: {  	_ =	shalt  }
0x7b: {  	_ =	shalt  }
0x7c: {  	_ =	shalt  }
0x7d: {  	_ =	shalt  }
0x7e: {  	_ =	shalt  }
0x7f: {  	_ =	shalt  }
0x80: {  	_ =	shalt  }
0x81: {  	_ =	shalt  }
0x82: {  	_ =	shalt  }
0x83: {  	_ =	shalt  }
0x84: {  	_ =	shalt  }
0x85: {  	_ =	shalt  }
0x86: {  	_ =	shalt  }
0x87: {  	_ =	shalt  }
.Lfunc_end0:
.L_simem_size_0:
called_computation.1_lowered:
.L_overlay_start_0:
0x88: {  	s2 =	sld [smem:$0x3FD9]  }
0x89: {  	s3 =	sld [smem:$0x3FFE];
	_ =	sdelay $0x1  }
0x8a: {  	s1 =	srdreg.scid  }
0x8b: {  	s0 =	sand.u32 $0x1, s1  }
0x8c: {  	s17 =	sshll.u32 s0, $0xA;
	s2 =	sadd.s32 s3, s2  }
0x8d: {  	s2 =	sadd.s32 s2, s17  }
0x8e: {  	[smem:$0x3FC5] =	sst s2  }
0x8f: {  	_ = 	snop  }
0x90: {  	s2 =	sld [smem:$0x3FD0];
	(tm) =	ssettm $0x1  }
0x91: {  	s18 =	sld [smem:$0x3FFB];
	_ =	sdelay $0x3  }
0x92: {  	_ =	strace s18  }
0x93: {  	s3 =	sld [smem:$0x3FFC];
	_ =	sdelay $0x3  }
0x94: {  	_ =	strace s3  }
0x95: {  	s3 =	sld [smem:$0x3FFD];
	_ =	sdelay $0x3  }
0x96: {  	_ =	strace s3  }
0x97: {  	_ =	strace $0x8FFFFFFF  }
0x98: {  	s19 =	sld [smem:$0x3FDB];
	_ =	sdelay $0x1  }
0x99: {  	s4 =	simm.s32 $_scs_section_size  }
0x9a: {  	s5 =	simm.s32 $_size__tile_overlayer_lowered;
	s6 =	simm.s32 $_tile_overlayer_lowered  }
0x9b: {  	s22 =	simm.s32 $0x1BFF;
	s21 =	sshll.u32 s6, $0x1;
	s3 =	sadd.s32 s4, s19  }
0x9c: {  	s7 =	simm.s32 $0x0;
	s20 =	sshll.u32 s5, $0x1;
	s5 =	sadd.s32 s21, s3  }
0x9d: {  	[timem:s7], [sflag:s22] =	dma.local [hbm:s5], s20  }
0x9e: {  	_ =	swait.ge [sflag:s22], s20  }
0x9f: {  	s4 =	ssub.s32 $0x0, s20;
	[sflag:s22] =	ssyncset.done $0x0  }
0xa0: {  	[sflag:s22] =	ssyncadd.s32 s4;
	_ =	sdelay $0x1  }
0xa1: {  	s23 =	simm.s32 $0x1B8B  }
0xa2: {  	_ =	swait.ge [sflag:s23], $0x1  }
0xa3: {  	[sflag:s23] =	ssyncset.done $0x0  }
0xa4: {  	s25 =	simm.s32 $0x1B8E;
	s24 =	sld [smem:$0x3FFE];
	[sflag:s23] =	ssyncadd.s32 $0xFFFFFFFF  }
0xa5: {  	s26 =	simm.s32 $execute0_lowered;
	[smem:$0x3FD2] =	sst s25  }
0xa6: {  	s5 =	sshll.u32 s26, $0x1;
	_ =	strace $0x80000046;
	[dreg:$0x1] =	wrdreg $0xFFFFFFFF  }
0xa7: {  	s28 =	simm.s32 $_size_execute0_lowered;
	s3 =	sadd.s32 s3, s5;
	[dreg:$0x0] =	wrdreg $0x0  }
0xa8: {  	s5 =	sshll.u32 s28, $0x1;
	[dreg:$0x2] =	wrdreg s3  }
0xa9: {  	[dreg:$0x3] =	wrdreg s5  }
0xaa: {  	[dreg:$0x4] =	wrdreg $0xC0  }
0xab: {  	_ =	task [dreg:s7], $0x5FFFF  }
0xac: {  	[dreg:$0x1] =	wrdreg $0xFFFFFFFF  }
0xad: {  	[dreg:$0x0] =	wrdreg $0x60  }
0xae: {  	[dreg:$0x2] =	wrdreg s24  }
0xaf: {  	[dreg:$0x3] =	wrdreg s2  }
0xb0: {  	[dreg:$0x4] =	wrdreg $0x9  }
0xb1: {  	_ =	task.clear_ibuf [dreg:s7], $0x5FFFF;
	_ =	strace $0x90000046  }
0xb2: {  	s29 =	simm.s32 $0x9;
	_ =	strace $0x80000048  }
0xb3: {  	_ =	swait.ge [sflag:s29], $0x1  }
0xb4: {  	[sflag:s29] =	ssyncadd.s32 $0xFFFFFFFF  }
0xb5: {  	_ =	strace $0x90000048  }
0xb6: {  	_ =	sfence  }
0xb7: {  	s30 =	sld [smem:$0x0];
	_ =	sdelay $0x2  }
0xb8: {  	s31 =	sshll.u32 s1, $0xD;
	s1 =	sshrl.u32 s1, $0x2  }
0xb9: {  	s3 =	sand.u32 $0x4000, s31;
	s1 =	sadd.s32 s1, s30  }
0xba: {  	s0 =	sor.u32 s3, s0;
	s1 =	sshll.u32 s1, $0x11  }
0xbb: {  	s0 =	sor.u32 s1, s0  }
0xbc: {  	s0 =	sadd.s32 $0x8F2B, s0  }
0xbd: {  	[sflag:s0] =	ssyncadd.remote.s32 $0x1  }
0xbe: {  	_ =	sfence.sel $0xFFFF  }
0xbf: {  	[dreg:$0x0] =	wrdreg $0xFFFFFFFF;
	(pc) =	sbr.abs _section_cstart, $3  }
0xc0: {  	[dreg:$0x1] =	wrdreg $0xFFFFFFFF  }
0xc1: {  	_ =	task.clear_ibuf [dreg:s7], $0x2FFFF;
	_ =	strace $0x9FFFFFFF  }
0xc2: {  	(tm) =	ssettm $0x7FFFFFFF  }
0xc3: {  	_ =	shalt  }
tec
execute0_lowered:
.L_overlay_start_1:
0x0: {  	(tag) =	ssettag $0x1  }
0x1: {  	s1 =	srdreg.scid  }
0x2: {  	s0 =	stileid.u32;
	s4 =	rddreg [dreg:$0x0]  }
0x3: {  	s9 =	rddreg [dreg:$0x1];
	s2 =	simm.s32 $0x0;
	s15 =	simm.s32 $0x8800  }
0x4: {  	s16 =	simm.s32 $0x1;
	s17 =	simm.s32 $0x2;
	s11 =	smul.u32 $0x1A0000, s0  }
0x5: {  	s18 =	simm.s32 $0x3380;
	s7 =	sand.u32 $0x1, s1;
	s13 =	smul.u32 $0x6800, s0  }
0x6: {  	s19 =	simm.s32 $0x0;
	s28 =	sshll.u32 s0, $0x1;
	s29 =	smul.u32 $0x3400, s7  }
0x7: {  	s1 =	rddreg [dreg:$0x2];
	s8 =	sor.u32 s7, s28;
	s14 =	smul.u32 $0xD0000, s7  }
0x8: {  	[smem:$0x7FF] =	sst s2;
	s6 =	ssub.s32 $0x2, s7;
	s3 =	smul.u32 $0x3400, s8  }
0x9: {  	_ =	strace $0x80000047;
	s10 =	smul.u32 $0xD0000, s8;
	s12 =	sshrl.u32 s6, $0x1  }
0xa: {  	s8 =	smul.u32 $0x1A000, s8;
	s6 =	ssub.s32 s6, s12;
	s31 =	sadd.s32 s29, s13  }
0xb: {  	s11 =	sadd.s32 s14, s11;
	s12 =	simm.s32 $0x3400;
	s13 =	simm.s32 $0x80  }
0xc: {  	s14 =	simm.s32 $0x6800;
	s3 =	sshrl.u32 s3, $0x3;
	s6 =	smax.u32 s6, $0x1  }
0xd: {  	s10 =	sshrl.u32 s10, $0x3;
	s8 =	sadd.s32 s9, s8;
	s11 =	sshrl.u32 s11, $0x3  }
0xe: {  	s5 =	sadd.s32 s3, s4;
	s3 =	sadd.s32 $0xE000, s4;
	s4 =	sadd.s32 $0x800, s4  }
0xf: {  	s30 =	sadd.s32 s9, s10;
	s10 =	sshll.u32 s31, $0x3;
	s8 =	sadd.s32 $0x19C00, s8  }
0x10: {  	s5 =	sadd.s32 $0x1000, s5;
	s7 =	sadd.s32 $0x19800, s30;
	s10 =	sadd.s32 s10, s9  }
0x11: {  	v0 =	vimm.s32 $0x0;
	s9 =	sadd.s32 s11, s9;
	s11 =	simm.s32 $0x3;
	s10 =	sadd.s32 $0x400, s10  }
.LBB2_1:
0x12: {  	[tilespmem:s2], [sflag:$0x3] =	stream.linear.gather [hbm4b:s5+s2], $0x3400, $0x38;
	[tilespmem:$0xA800] =	vst v63  }
0x13: {  	_ =	swait.ge [sflag:s11], $0x3400  }
0x14: {  	[sflag:s11] =	ssyncset.done $0x0  }
0x15: {  	[sflag:s11] =	ssyncadd.s32 $0xFFFFCC00  }
0x16: {  	[tilespmem:s12], [sflag:$0x3] =	stream.linear.gather [hbm4b:s4+s2], $0x3400, $0x38;
	[tilespmem:$0xA800] =	vst v63  }
0x17: {  	_ =	swait.ge [sflag:s11], $0x3400  }
0x18: {  	[sflag:s11] =	ssyncset.done $0x0  }
0x19: {  	s20 =	simm.s32 $0x0;
	[sflag:s11] =	ssyncadd.s32 $0xFFFFCC00  }
0x1a: {  	s21 =	simm.s32 $0x40;
	v1 =	vld [tilespmem:s20+$0x3400]  }
.LBB2_2:
0x1b: {  	p0 =	sne.s32 s21, $0xCFC0;
	v2 =	vld [tilespmem:s20+$0x0];
	_ =	sdelay $0x4  }
.Ltmp0:
0x1c: {  	v1 =	vadd.s32 v2, v1;
	(pc) =	sbr.rel @p0 .LBB2_2-.Ltmp0, $4  }
0x1d: {  	vm0 =	vgt.s32 v1, $0x13D7FF  }
0x1e: {  	v1 =	vshll.u32 v1, $0x1;
	v2 =	vsel vm0, $0xFFD85001, v0  }
0x1f: {  	s22 =	sshra.s32 s21, $0x2;
	v2 =	vadd.s32 v1, v2  }
0x20: {  	s21 =	sadd.s32 $0x40, s21;
	v1 =	vld [tilespmem:s22+$0x3400];
	[tilespmem:s20+$0x0] =	vst v2;
	s20 =	smov.u32 s22  }
0x21: {  	v2 =	vld [tilespmem:s20+$0x0];
	_ =	sdelay $0x4  }
0x22: {  	v1 =	vadd.s32 v2, v1  }
0x23: {  	vm0 =	vgt.s32 v1, $0x13D7FF  }
0x24: {  	v1 =	vshll.u32 v1, $0x1;
	v2 =	vsel vm0, $0xFFD85001, v0  }
0x25: {  	v1 =	vadd.s32 v1, v2  }
0x26: {  	s26 =	simm.s32 $0x0;
	[tilespmem:s20+$0x0] =	vst v1  }
0x27: {  	[tilespmem:s14], [sflag:$0x1] =	stream.indirect.gather [hbm4b:s3+s13], $0x40, s26, s13, $0xb8;
	[tilespmem:$0xA800] =	vst v63  }
0x28: {  	s28 =	simm.s32 $0x80  }
0x29: {  	[tilespmem:s15], [sflag:$0x2] =	stream.indirect.gather [hbm4b:s3+s13], $0x40, s28, s13, $0xb8;
	[tilespmem:$0xA800] =	vst v63  }
0x2a: {  	_ =	swait.ge [sflag:s16], $0x2000  }
0x2b: {  	[sflag:s16] =	ssyncset.done $0x0  }
0x2c: {  	s29 =	sadd.s32 $0x0, s9;
	[sflag:s16] =	ssyncadd.s32 $0xFFFFE000  }
0x2d: {  	[hbm4b:s29+s2] =	stream.linear.scatter [tilespmem:s14], [sflag:$0x3], $0x2000, $0x38;
	[tilespmem:$0xA800] =	vst v63  }
0x2e: {  	_ =	swait.ge [sflag:s11], $0x2000  }
0x2f: {  	[sflag:s11] =	ssyncset.done $0x0  }
0x30: {  	s30 =	simm.s32 $0x100;
	[sflag:s11] =	ssyncadd.s32 $0xFFFFE000  }
0x31: {  	[tilespmem:s14], [sflag:$0x1] =	stream.indirect.gather [hbm4b:s3+s13], $0x40, s30, s13, $0xb8;
	[tilespmem:$0xA800] =	vst v63  }
0x32: {  	_ =	swait.ge [sflag:s17], $0x2000  }
0x33: {  	[sflag:s17] =	ssyncset.done $0x0  }
0x34: {  	s31 =	sadd.s32 $0x0, s10;
	[sflag:s17] =	ssyncadd.s32 $0xFFFFE000  }
0x35: {  	[hbm4b:s31+s2] =	stream.linear.scatter [tilespmem:s15], [sflag:$0x3], $0x2000, $0x38;
	[tilespmem:$0xA800] =	vst v63  }
0x36: {  	s22 =	simm.s32 $0x1000;
	_ =	swait.ge [sflag:s11], $0x2000  }
0x37: {  	s21 =	simm.s32 $0x200;
	s20 =	simm.s32 $0x800;
	[sflag:s11] =	ssyncset.done $0x0  }
.LBB2_4:
0x38: {  	p0 =	sne.s32 s22, $0x19000;
	s23 =	sadd.s32 $0xFFFFFF80, s21;
	[sflag:s11] =	ssyncadd.s32 $0xFFFFE000  }
0x39: {  	[tilespmem:s15], [sflag:$0x2] =	stream.indirect.gather [hbm4b:s3+s13], $0x40, s23, s13, $0xb8;
	[tilespmem:$0xA800] =	vst v63  }
0x3a: {  	s23 =	smov.u32 s22;
	s22 =	sadd.s32 $0x800, s22;
	_ =	swait.ge [sflag:s16], $0x2000  }
0x3b: {  	[sflag:s16] =	ssyncset.done $0x0  }
0x3c: {  	s24 =	sadd.s32 s20, s9;
	[sflag:s16] =	ssyncadd.s32 $0xFFFFE000  }
0x3d: {  	[hbm4b:s24+s2] =	stream.linear.scatter [tilespmem:s14], [sflag:$0x3], $0x2000, $0x38;
	[tilespmem:$0xA800] =	vst v63  }
0x3e: {  	_ =	swait.ge [sflag:s11], $0x2000  }
0x3f: {  	[sflag:s11] =	ssyncset.done $0x0  }
0x40: {  	[sflag:s11] =	ssyncadd.s32 $0xFFFFE000  }
0x41: {  	[tilespmem:s14], [sflag:$0x1] =	stream.indirect.gather [hbm4b:s3+s13], $0x40, s21, s13, $0xb8;
	[tilespmem:$0xA800] =	vst v63  }
0x42: {  	_ =	swait.ge [sflag:s17], $0x2000  }
.Ltmp1:
0x43: {  	[sflag:s17] =	ssyncset.done $0x0;
	(pc) =	sbr.rel @p0 .LBB2_4-.Ltmp1, $4  }
0x44: {  	s24 =	sadd.s32 s20, s10;
	s20 =	smov.u32 s23;
	[sflag:s17] =	ssyncadd.s32 $0xFFFFE000  }
0x45: {  	[hbm4b:s24+s2] =	stream.linear.scatter [tilespmem:s15], [sflag:$0x3], $0x2000, $0x38;
	[tilespmem:$0xA800] =	vst v63  }
0x46: {  	_ =	swait.ge [sflag:s11], $0x2000  }
0x47: {  	s21 =	sadd.s32 $0x100, s21;
	[sflag:s11] =	ssyncset.done $0x0  }
0x48: {  	s22 =	sadd.s32 $0xFFFFFF80, s21;
	[sflag:s11] =	ssyncadd.s32 $0xFFFFE000  }
0x49: {  	[tilespmem:s15], [sflag:$0x2] =	stream.indirect.gather [hbm4b:s3+s13], $0x40, s22, s13, $0xb8;
	[tilespmem:$0xA800] =	vst v63  }
0x4a: {  	_ =	swait.ge [sflag:s16], $0x2000  }
0x4b: {  	[sflag:s16] =	ssyncset.done $0x0  }
0x4c: {  	s30 =	sadd.s32 s20, s9;
	[sflag:s16] =	ssyncadd.s32 $0xFFFFE000  }
0x4d: {  	[hbm4b:s30+s2] =	stream.linear.scatter [tilespmem:s14], [sflag:$0x3], $0x2000, $0x38;
	[tilespmem:$0xA800] =	vst v63  }
0x4e: {  	_ =	swait.ge [sflag:s11], $0x2000  }
0x4f: {  	[sflag:s11] =	ssyncset.done $0x0  }
0x50: {  	[sflag:s11] =	ssyncadd.s32 $0xFFFFE000  }
0x51: {  	[tilespmem:s14], [sflag:$0x1] =	stream.indirect.gather [hbm4b:s3+s13], $0x40, s21, s13, $0xb8;
	[tilespmem:$0xA800] =	vst v63  }
0x52: {  	_ =	swait.ge [sflag:s17], $0x2000  }
0x53: {  	[sflag:s17] =	ssyncset.done $0x0  }
0x54: {  	s31 =	sadd.s32 s20, s10;
	[sflag:s17] =	ssyncadd.s32 $0xFFFFE000  }
0x55: {  	[hbm4b:s31+s2] =	stream.linear.scatter [tilespmem:s15], [sflag:$0x3], $0x2000, $0x38;
	[tilespmem:$0xA800] =	vst v63  }
0x56: {  	_ =	swait.ge [sflag:s11], $0x2000  }
0x57: {  	[sflag:s11] =	ssyncset.done $0x0  }
0x58: {  	[sflag:s11] =	ssyncadd.s32 $0xFFFFE000  }
0x59: {  	[tilespmem:s15], [sflag:$0x2] =	stream.indirect.gather [hbm4b:s3+s13], $0x40, s18, s13, $0xb8;
	[tilespmem:$0xA800] =	vst v63  }
0x5a: {  	_ =	swait.ge [sflag:s16], $0x2000  }
0x5b: {  	[sflag:s16] =	ssyncset.done $0x0  }
0x5c: {  	[sflag:s16] =	ssyncadd.s32 $0xFFFFE000  }
0x5d: {  	[hbm4b:s7+s2] =	stream.linear.scatter [tilespmem:s14], [sflag:$0x3], $0x2000, $0x38;
	[tilespmem:$0xA800] =	vst v63  }
0x5e: {  	_ =	swait.ge [sflag:s11], $0x2000  }
0x5f: {  	[sflag:s11] =	ssyncset.done $0x0  }
0x60: {  	[sflag:s11] =	ssyncadd.s32 $0xFFFFE000  }
0x61: {  	s19 =	sadd.s32 $0x1, s19;
	_ =	swait.ge [sflag:s17], $0x2000  }
0x62: {  	p0 =	sne.s32 s19, s6;
	[sflag:s17] =	ssyncset.done $0x0  }
.Ltmp2:
0x63: {  	[sflag:s17] =	ssyncadd.s32 $0xFFFFE000;
	(pc) =	sbr.rel @p0 .LBB2_1-.Ltmp2, $4  }
0x64: {  	[hbm4b:s8+s2] =	stream.linear.scatter [tilespmem:s15], [sflag:$0x3], $0x2000, $0x38;
	[tilespmem:$0xA800] =	vst v63  }
0x65: {  	_ =	swait.ge [sflag:s11], $0x2000  }
0x66: {  	[sflag:s11] =	ssyncset.done $0x0  }
0x67: {  	[sflag:s11] =	ssyncadd.s32 $0xFFFFE000  }
0x68: {  	_ =	sfence.sel $0x180000  }
0x69: {  	[bflag:$0x0] =	sbarrier.arrive $0xFFFF  }
0x6a: {  	p0 =	sne.s32 s0, $0x0;
	_ =	strace $0x90000047  }
0x6b: {  	s0 =	sadd.s32 @!p0 $0x100000, s1;
	[bflag:$0x2] =	sbarrier.arrive $0xFFFF  }
0x6c: {  	[sflag:s0] =	ssyncadd.tile.s32 @!p0 $0x1;
	_ =	shalt  }
.Lfunc_end2:
_tile_overlayer_lowered:
.L_overlay_start_2:
0x6d: {  	(tag) =	ssettag $0x2  }
0x6e: {  	s0 =	rddreg [dreg:$0x0];
	s2 =	stileid.u32  }
0x6f: {  	s1 =	rddreg [dreg:$0x1];
	p0 =	sne.s32 s2, $0x0  }
0x70: {  	s3 =	rddreg [dreg:$0x2];
	[bflag:$0x3] =	sbarrier.arrive $0xFFFF;
	s2 =	simm.s32 @!p0 $0x1C03  }
0x71: {  	[timem:s3], [sflag:s2] =	dma.local @!p0 [hbm:s0], s1  }
0x72: {  	s0 =	simm.s32 @!p0 $0x3  }
0x73: {  	_ =	swait.ge @!p0 [sflag:s0], s1  }
0x74: {  	s1 =	ssub.s32 @!p0 $0x0, s1;
	[sflag:s0] =	ssyncset.done @!p0 $0x0  }
0x75: {  	[sflag:s0] =	ssyncadd.s32 @!p0 s1  }
0x76: {  	[bflag:$0x3] =	sbarrier.arrive $0xFFFF  }
0x77: {  	_ =	shalt  }

// kernel: sparse-core-data-format-call.cloned.1.call-start
scs
called_computation_lowered:
.L_overlay_start_0:
0x0: {  	s2 =	sld [smem:$0x3FD9]  }
0x1: {  	s3 =	sld [smem:$0x3FFE];
	_ =	sdelay $0x1  }
0x2: {  	s1 =	srdreg.scid  }
0x3: {  	s0 =	sand.u32 $0x1, s1  }
0x4: {  	s18 =	sshll.u32 s0, $0xA;
	s2 =	sadd.s32 s3, s2  }
0x5: {  	s2 =	sadd.s32 s2, s18  }
0x6: {  	[smem:$0x3FC5] =	sst s2  }
0x7: {  	_ = 	snop  }
0x8: {  	s2 =	sld [smem:$0x3FD0];
	(tm) =	ssettm $0x1  }
0x9: {  	s19 =	sld [smem:$0x3FFB];
	_ =	sdelay $0x3  }
0xa: {  	_ =	strace s19  }
0xb: {  	s3 =	sld [smem:$0x3FFC];
	_ =	sdelay $0x3  }
0xc: {  	_ =	strace s3  }
0xd: {  	s3 =	sld [smem:$0x3FFD];
	_ =	sdelay $0x3  }
0xe: {  	_ =	strace s3  }
0xf: {  	_ =	strace $0x8FFFFFFF  }
0x10: {  	s20 =	sld [smem:$0x3FDB];
	_ =	sdelay $0x1  }
0x11: {  	s4 =	simm.s32 $_scs_section_size  }
0x12: {  	s5 =	simm.s32 $_size__tile_overlayer_lowered;
	s6 =	simm.s32 $_tile_overlayer_lowered  }
0x13: {  	s23 =	simm.s32 $0x1BFF;
	s22 =	sshll.u32 s6, $0x1;
	s3 =	sadd.s32 s4, s20  }
0x14: {  	s7 =	simm.s32 $0x0;
	s21 =	sshll.u32 s5, $0x1;
	s5 =	sadd.s32 s22, s3  }
0x15: {  	[timem:s7], [sflag:s23] =	dma.local [hbm:s5], s21  }
0x16: {  	_ =	swait.ge [sflag:s23], s21  }
0x17: {  	s4 =	ssub.s32 $0x0, s21;
	[sflag:s23] =	ssyncset.done $0x0  }
0x18: {  	[sflag:s23] =	ssyncadd.s32 s4;
	_ =	sdelay $0x1  }
0x19: {  	s24 =	simm.s32 $0x1B8B  }
0x1a: {  	_ =	swait.ge [sflag:s24], $0x1  }
0x1b: {  	[sflag:s24] =	ssyncset.done $0x0  }
0x1c: {  	s26 =	simm.s32 $0x1B8E;
	s25 =	sld [smem:$0x3FFE];
	[sflag:s24] =	ssyncadd.s32 $0xFFFFFFFF  }
0x1d: {  	s27 =	simm.s32 $execute0_lowered;
	[smem:$0x3FD2] =	sst s26  }
0x1e: {  	s5 =	sshll.u32 s27, $0x1;
	_ =	strace $0x80000049;
	[dreg:$0x1] =	wrdreg $0xFFFFFFFF  }
0x1f: {  	s28 =	simm.s32 $_size_execute0_lowered;
	s3 =	sadd.s32 s3, s5;
	[dreg:$0x0] =	wrdreg $0x0  }
0x20: {  	s5 =	sshll.u32 s28, $0x1;
	[dreg:$0x2] =	wrdreg s3  }
0x21: {  	[dreg:$0x3] =	wrdreg s5  }
0x22: {  	[dreg:$0x4] =	wrdreg $0xC0  }
0x23: {  	_ =	task [dreg:s7], $0x5FFFF  }
0x24: {  	[dreg:$0x1] =	wrdreg $0xFFFFFFFF  }
0x25: {  	[dreg:$0x0] =	wrdreg $0x60  }
0x26: {  	[dreg:$0x2] =	wrdreg s25  }
0x27: {  	[dreg:$0x3] =	wrdreg s2  }
0x28: {  	[dreg:$0x4] =	wrdreg $0x9  }
0x29: {  	_ =	task.clear_ibuf [dreg:s7], $0x5FFFF;
	_ =	strace $0x90000049  }
0x2a: {  	s29 =	simm.s32 $0x9;
	_ =	strace $0x8000004B  }
0x2b: {  	_ =	swait.ge [sflag:s29], $0x1  }
0x2c: {  	[sflag:s29] =	ssyncadd.s32 $0xFFFFFFFF  }
0x2d: {  	_ =	strace $0x9000004B  }
0x2e: {  	_ =	sfence  }
0x2f: {  	s30 =	sld [smem:$0x0];
	_ =	sdelay $0x2  }
0x30: {  	s31 =	sshll.u32 s1, $0xD;
	s1 =	sshrl.u32 s1, $0x2  }
0x31: {  	s3 =	sand.u32 $0x4000, s31;
	s1 =	sadd.s32 s1, s30  }
0x32: {  	s0 =	sor.u32 s3, s0;
	s1 =	sshll.u32 s1, $0x11  }
0x33: {  	s0 =	sor.u32 s1, s0  }
0x34: {  	s0 =	sadd.s32 $0x8F2B, s0  }
0x35: {  	[sflag:s0] =	ssyncadd.remote.s32 $0x1  }
0x36: {  	_ =	sfence.sel $0xFFFF  }
0x37: {  	[dreg:$0x0] =	wrdreg $0xFFFFFFFF;
	(pc) =	sbr.abs _section_cstart, $3  }
0x38: {  	[dreg:$0x1] =	wrdreg $0xFFFFFFFF  }
0x39: {  	_ =	task.clear_ibuf [dreg:s7], $0x2FFFF;
	_ =	strace $0x9FFFFFFF  }
0x3a: {  	(tm) =	ssettm $0x7FFFFFFF  }
0x3b: {  	_ =	shalt  }
tec
execute0_lowered:
.L_overlay_start_1:
0x0: {  	(tag) =	ssettag $0x1  }
0x1: {  	s0 =	srdreg.scid  }
0x2: {  	s1 =	sshll.u32 s0, $0x4  }
0x3: {  	s0 =	stileid.u32;
	s1 =	sand.u32 $0x10, s1  }
0x4: {  	s1 =	sor.u32 s0, s1  }
0x5: {  	s6 =	rddreg [dreg:$0x0];
	s4 =	simm.s32 $0x1;
	s2 =	sshll.u32 s1, $0x7  }
0x6: {  	s7 =	simm.s32 $0x2;
	s12 =	simm.s32 $0x0;
	s1 =	ssub.s32 $0x4000, s2  }
0x7: {  	s8 =	simm.s32 $0x20000;
	s13 =	simm.s32 $0x0;
	s3 =	sand.u32 $0xF80, s1  }
0x8: {  	s9 =	simm.s32 $0x0;
	s5 =	sshrl.u32 s1, $0xC;
	p0 =	sne.s32 s3, $0x0  }
.Ltmp0:
0x9: {  	s1 =	rddreg [dreg:$0x2];
	s4 =	simm.s32 @!p0 $0x0;
	(pc) =	sbr.rel .LBB1_1-.Ltmp0, $4  }
0xa: {  	s11 =	simm.s32 $0x0;
	s3 =	rddreg [dreg:$0x1];
	s5 =	sadd.s32 s4, s5  }
0xb: {  	_ =	strace $0x8000004A;
	s4 =	simm.s32 $0x1;
	s5 =	smul.u32 $0x1A, s5  }
0xc: {  	s6 =	sadd.s32 $0x800, s6;
	s10 =	smov.u32 s2;
	[sflag:s4] =	ssyncpa.u1 $0x0  }
0xd: {  	p0 =	por $0x0, $0x0;
	[sflag:s7] =	ssyncpa.u1 $0x0;
	s7 =	sor.u32 $0x1, s5  }
.LBB1_4:
0xe: {  	s16 =	sshll.u32 s13, $0x3;
	s17 =	sand.u32 $0x78, s13  }
0xf: {  	s30 =	sand.u32 $0x1F800, s13;
	s12 =	sshll.u32 s12, $0x11;
	s16 =	sand.u32 $0x3C00, s16  }
0x10: {  	[tilespmem:s15+$0x810 ss:$0x81] =	vst.msk $0xffff, v2;
	s31 =	sand.u32 $0x7, s13;
	s16 =	sor.u32 s17, s16;
	s17 =	sadd.s32 s3, s30  }
0x11: {  	[tilespmem:s15+$0x1020 ss:$0x81] =	vst.msk $0xffff, v0;
	s13 =	sshll.u32 s31, $0x12;
	s12 =	sadd.s32 s12, s17;
	s16 =	sshrl.u32 s16, $0x3  }
0x12: {  	[tilespmem:s15+$0x0 ss:$0x81] =	vst.msk $0xffff, v1;
	s13 =	sor.u32 $0x400, s13;
	s12 =	sadd.s32 s16, s12  }
0x13: {  	[hbm4b:s12+s13] =	stream.strided.scatter [tilespmem:s14], [sflag:$0x2], $0x2000, s8, s13, $0x20;
	[tilespmem:$0x8080] =	vst v63  }
.LBB1_5:
0x14: {  	s14 =	sadd.s32 $0x1, s9  }
0x15: {  	s12 =	sadd.s32 $0x1000, s10;
	s16 =	smov.u32 s10;
	p2 =	sgt.s32 s14, $0x19  }
0x16: {  	s16 =	smov.u32 @p2 s12  }
0x17: {  	s14 =	simm.s32 @p2 $0x0;
	p2 =	sgt.s32 s16, $0x3FFF  }
0x18: {  	s16 =	smov.u32 @p2 s2;
	p2 =	sne.s32 s11, s7  }
.Ltmp1:
0x19: {  	p1 =	slt.u32 s11, $0x2;
	(pc) =	sbr.rel @!p2 .LBB1_6-.Ltmp1, $4  }
0x1a: {  	s15 =	simm.s32 @!p1 $0x2  }
0x1b: {  	s13 =	smov.u32 s10;
	p0 =	por !p0, !p0;
	_ =	swait.ge @!p1 [sflag:s15], $0x2000  }
0x1c: {  	s12 =	smov.u32 s9;
	[sflag:s15] =	ssyncset.done @!p1 $0x0;
	s9 =	smov.u32 s14  }
0x1d: {  	s11 =	sadd.s32 $0x1, s11;
	[sflag:s15] =	ssyncadd.s32 @!p1 $0xFFFFE000;
	s10 =	smov.u32 s16  }
.LBB1_1:
0x1e: {  	p1 =	sge.u32 s11, s5  }
0x1f: {  	s31 =	sadd.s32 $0xFFFFFFFF, s11;
	s14 =	sxor.u32 @!p1 $0xFFFFFFFF, s11  }
0x20: {  	s15 =	sshll.u32 @!p1 s10, $0x9;
	s16 =	sshll.u32 @!p1 s9, $0x4;
	s17 =	simm.s32 @!p1 $0x1000  }
0x21: {  	s14 =	sshll.u32 @!p1 s14, $0xD;
	s16 =	sand.u32 @!p1 $0x1F0, s16;
	s15 =	sadd.s32 @!p1 s6, s15  }
0x22: {  	s14 =	sand.u32 @!p1 $0x2000, s14;
	s15 =	sadd.s32 @!p1 s16, s15;
	s16 =	simm.s32 @!p1 $0x40  }
0x23: {  	[tilespmem:s14], [sflag:$0x1] =	stream.strided.gather @!p1 [hbm4b:s15+s16], $0x2000, s17, s16, $0x38;
	[tilespmem:$0x8080] =	vst v63  }
0x24: {  	p1 =	sge.u32 s31, s5  }
.Ltmp2:
0x25: {  	_ = 	snop;
	(pc) =	sbr.rel @p1 .LBB1_5-.Ltmp2, $1  }
0x26: {  	_ =	sdelay $0x3  }
0x27: {  	s14 =	simm.s32 $0x1  }
0x28: {  	_ =	swait.ge [sflag:s4], $0x2000;
	s14 =	simm.s32 @!p0 $0x0  }
0x29: {  	[sflag:s4] =	ssyncset.done $0x0;
	s15 =	sshll.u32 s14, $0xD  }
0x2a: {  	[sflag:s4] =	ssyncadd.s32 $0xFFFFE000;
	s18 =	sor.u32 $0x20, s15  }
0x2b: {  	s14 =	smul.u32 $0x8100, s14;
	v3 =	vld [tilespmem:s18+$0x10]  }
0x2c: {  	s30 =	sand.u32 $0x1, s11;
	v2 =	vld [tilespmem:s18+$0xFFFFFFF0]  }
0x2d: {  	s15 =	smul.u32 $0x8100, s30;
	s14 =	sshrl.u32 s14, $0x2;
	v0 =	vld [tilespmem:s18+$0x0]  }
0x2e: {  	v1 =	vld [tilespmem:s18+$0xFFFFFFE0];
	s16 =	sor.u32 $0x4000, s14  }
0x2f: {  	s31 =	sshrl.u32 s15, $0x2;
	s15 =	sadd.s32 $0x0, s16  }
0x30: {  	s17 =	simm.s32 $0x4;
	s18 =	sadd.s32 $0x40, s18;
	s14 =	sor.u32 $0x4000, s31;
	[tilespmem:s15+$0x1830 ss:$0x81] =	vst.msk $0xffff, v3  }
.LBB1_3:
0x31: {  	v3 =	vld [tilespmem:s18+$0x10];
	p1 =	sne.s32 s17, $0x1FC;
	[tilespmem:s15+$0x810 ss:$0x81] =	vst.msk $0xffff, v2;
	s19 =	smov.u32 s17;
	s17 =	sadd.s32 $0x4, s17  }
.Ltmp3:
0x32: {  	v2 =	vld [tilespmem:s18+$0xFFFFFFF0];
	[tilespmem:s15+$0x1020 ss:$0x81] =	vst.msk $0xffff, v0;
	(pc) =	sbr.rel @p1 .LBB1_3-.Ltmp3, $4  }
0x33: {  	v0 =	vld [tilespmem:s18+$0x0];
	[tilespmem:s15+$0x0 ss:$0x81] =	vst.msk $0xffff, v1  }
0x34: {  	s15 =	sshra.s32 s19, $0x2;
	v1 =	vld [tilespmem:s18+$0xFFFFFFE0]  }
0x35: {  	s15 =	sadd.s32 s15, s16  }
0x36: {  	s18 =	sadd.s32 $0x40, s18;
	[tilespmem:s15+$0x1830 ss:$0x81] =	vst.msk $0xffff, v3  }
.Ltmp4:
0x37: {  	_ = 	snop;
	(pc) =	sbr.rel .LBB1_4-.Ltmp4, $1  }
0x38: {  	_ =	sdelay $0x3  }
.LBB1_6:
0x39: {  	_ =	sfence.sel $0x180000  }
0x3a: {  	s2 =	simm.s32 $0x1;
	[bflag:$0x0] =	sbarrier.arrive $0xFFFF  }
0x3b: {  	s31 =	simm.s32 $0x2;
	[sflag:s2] =	ssyncpa.u1 $0x1  }
0x3c: {  	[sflag:s31] =	ssyncpa.u1 $0x1  }
0x3d: {  	p0 =	sne.s32 s0, $0x0;
	_ =	strace $0x9000004A  }
0x3e: {  	s0 =	sadd.s32 @!p0 $0x100000, s1;
	[bflag:$0x2] =	sbarrier.arrive $0xFFFF  }
0x3f: {  	[sflag:s0] =	ssyncadd.tile.s32 @!p0 $0x1;
	_ =	shalt  }
.Lfunc_end1:
_tile_overlayer_lowered:
.L_overlay_start_2:
0x40: {  	(tag) =	ssettag $0x2  }
0x41: {  	s0 =	rddreg [dreg:$0x0];
	s2 =	stileid.u32  }
0x42: {  	s1 =	rddreg [dreg:$0x1];
	p0 =	sne.s32 s2, $0x0  }
0x43: {  	s3 =	rddreg [dreg:$0x2];
	[bflag:$0x3] =	sbarrier.arrive $0xFFFF;
	s2 =	simm.s32 @!p0 $0x1C01  }
0x44: {  	[timem:s3], [sflag:s2] =	dma.local @!p0 [hbm:s0], s1  }
0x45: {  	s0 =	simm.s32 @!p0 $0x1  }
0x46: {  	_ =	swait.ge @!p0 [sflag:s0], s1  }
0x47: {  	s1 =	ssub.s32 @!p0 $0x0, s1;
	[sflag:s0] =	ssyncset.done @!p0 $0x0  }
0x48: {  	[sflag:s0] =	ssyncadd.s32 @!p0 s1  }
0x49: {  	[bflag:$0x3] =	sbarrier.arrive $0xFFFF  }
0x4a: {  	_ =	shalt  }

</sc_bundles>
